<compile_context>
chip_gen: v7x
topology: tpu7x:2x2x1
jax: 0.10.2.dev20260603
libtpu: 0.0.44.dev20260713+nightly
codegen_flags: <defaults>
</compile_context>

<pallas_src>
import functools

import jax
import jax.numpy as jnp
from jax import lax
from jax.experimental import pallas as pl
from jax.experimental.pallas import tpu as pltpu
from jax.experimental.pallas import tpu_sc as plsc

NC = 2
NS = 16
NW = NC * NS

K = 8
NB = 2


@jax.jit
def _gather_rows(ids, table):
    B, = ids.shape
    V, D = table.shape
    b_per_w = B // NW
    nchunk = b_per_w // K

    mesh = plsc.VectorSubcoreMesh(core_axis_name="c", subcore_axis_name="s")

    @functools.partial(
        pl.kernel,
        out_type=jax.ShapeDtypeStruct((B, D), jnp.float32),
        mesh=mesh,
        scratch_types=[
            pltpu.VMEM((b_per_w,), jnp.int32),
            pltpu.VMEM((NB, K, D), jnp.float32),
            pltpu.SemaphoreType.DMA,
            pltpu.SemaphoreType.DMA,
            pltpu.SemaphoreType.DMA,
            pltpu.SemaphoreType.DMA,
        ],
    )
    def body(ids_hbm, table_hbm, out_hbm, idx_v, bufs, g0, g1, w0, w1):
        gsems = (g0, g1)
        wsems = (w0, w1)
        wid = lax.axis_index("s") * NC + lax.axis_index("c")
        base = wid * b_per_w

        pltpu.sync_copy(ids_hbm.at[pl.ds(base, b_per_w)], idx_v)

        def start_gather(c, b):
            pltpu.async_copy(
                table_hbm.at[idx_v.at[pl.ds(c * K, K)]], bufs.at[b], gsems[b]
            )

        def wait_gather(c, b):
            pltpu.make_async_copy(
                table_hbm.at[idx_v.at[pl.ds(c * K, K)]], bufs.at[b], gsems[b]
            ).wait()

        def start_write(c, b):
            pltpu.async_copy(
                bufs.at[b], out_hbm.at[pl.ds(base + c * K, K)], wsems[b]
            )

        def wait_write(c, b):
            pltpu.make_async_copy(
                bufs.at[b], out_hbm.at[pl.ds(base + c * K, K)], wsems[b]
            ).wait()

        start_gather(0, 0)

        @pl.loop(0, nchunk, step=NB)
        def _(c0):
            for b in range(NB):
                c = c0 + b
                nb = (b + 1) % NB
                @pl.when(c + 1 < nchunk)
                def _():
                    @pl.when(c + 1 - NB >= 0)
                    def _():
                        wait_write(c + 1 - NB, nb)

                    start_gather(c + 1, nb)

                wait_gather(c, b)
                start_write(c, b)

        for b in range(NB):
            wait_write(nchunk - NB + b, (nchunk - NB + b) % NB)

    return body(ids, table)


def kernel(input_ids, table):
    ids = input_ids.reshape(-1).astype(jnp.int32)
    out = _gather_rows(ids, table)
    return out.reshape(input_ids.shape + (table.shape[1],))

# --- scband reference (transcript-rebuilt; emitter-appended) ---
"""Pipeline reference for scband-embedding-42039139893689 (READ-ONLY COPY).

The authoritative reference and input builder live on the scoring server;
editing this copy changes nothing except your own understanding.
"""

import jax, jax.numpy as jnp
import numpy as np

VOCAB = 65024
D_MODEL = 4096
BATCH = 2
SEQ = 4096

def setup_inputs(seed: int = 0) -> dict:
    key = jax.random.key(seed)
    k_ids, k_tab = jax.random.split(key)
    input_ids = jax.random.randint(k_ids, (BATCH, SEQ), 0, VOCAB, dtype=jnp.int64 if jax.config.jax_enable_x64 else jnp.int32)
    table = jax.random.normal(k_tab, (VOCAB, D_MODEL), dtype=jnp.float32) * 0.02
    return {"input_ids": input_ids, "table": table}

def reference(input_ids, table):
    # Faithful to torch.nn.Embedding: row gather from the embedding table.
    return jnp.take(table, input_ids, axis=0)

if __name__ == "__main__":
    import jax
    _d = setup_inputs()
    print(jax.jit(kernel)(*tuple(_d.values())))

</pallas_src>

<mosaic_0001>
#map = affine_map<(d0, d1) -> (0)>
#map1 = affine_map<(d0, d1) -> (0, 0)>
module attributes {stable_mosaic.version = 14 : i64} {
  func.func @body(%arg0: i32, %arg1: i32, %arg2: memref<8192xi32, #tpu.memory_space<hbm>>, %arg3: memref<65024x4096xf32, #tpu.memory_space<hbm>>, %arg4: memref<8192x4096xf32, #tpu.memory_space<hbm>>, %arg5: memref<256xi32, #tpu.memory_space<vmem>>, %arg6: memref<2x8x4096xf32, #tpu.memory_space<vmem>>, %arg7: memref<!tpu.dma_semaphore, #tpu.memory_space<semaphore_mem>>, %arg8: memref<!tpu.dma_semaphore, #tpu.memory_space<semaphore_mem>>, %arg9: memref<!tpu.dma_semaphore, #tpu.memory_space<semaphore_mem>>, %arg10: memref<!tpu.dma_semaphore, #tpu.memory_space<semaphore_mem>>) attributes {dimension_semantics = [#tpu.dimension_semantics<core_parallel>, #tpu.dimension_semantics<subcore_parallel>], iteration_bounds = array<i64: 2, 16>, scalar_prefetch = 0 : i64, scratch_operands = 6 : i64, tpu.core_type = #tpu.core_type<sc_vector_subcore>, window_params = [{transform_indices = #map}, {transform_indices = #map1}, {transform_indices = #map1}]} {
    %mul3A = arith.constant 2 : i32
    %mul3A_0 = arith.muli %arg1, %mul3A : i32
    %add3A = arith.addi %mul3A_0, %arg0 : i32
    %mul3A_1 = arith.constant 256 : i32
    %mul3A_2 = arith.muli %add3A, %mul3A_1 : i32
    "tpu.region"() ({
      %run_scoped3A = tpu.sem_alloc : memref<!tpu.dma_semaphore, #tpu.memory_space<semaphore_mem>>
      %dma_start3A_45 = tpu.memref_slice %arg2[%mul3A_2] : memref<8192xi32, #tpu.memory_space<hbm>> -> memref<256xi32, #tpu.memory_space<hbm>>
      %dma_start3A_46 = tpu.memref_slice %arg2[%mul3A_2] : memref<8192xi32, #tpu.memory_space<hbm>> -> memref<256xi32, #tpu.memory_space<hbm>>
      tpu.enqueue_dma source(%dma_start3A_46 : memref<256xi32, #tpu.memory_space<hbm>>) target(%arg5 : memref<256xi32, #tpu.memory_space<vmem>>) target_semaphore(%run_scoped3A : memref<!tpu.dma_semaphore, #tpu.memory_space<semaphore_mem>>)
      %dma_wait3A_47 = tpu.memref_slice %arg2[%mul3A_2] : memref<8192xi32, #tpu.memory_space<hbm>> -> memref<256xi32, #tpu.memory_space<hbm>>
      %dma_wait3A_48 = tpu.memref_slice %arg2[%mul3A_2] : memref<8192xi32, #tpu.memory_space<hbm>> -> memref<256xi32, #tpu.memory_space<hbm>>
      tpu.wait_dma2 semaphore(%run_scoped3A : memref<!tpu.dma_semaphore, #tpu.memory_space<semaphore_mem>>) src(%dma_wait3A_48 : memref<256xi32, #tpu.memory_space<hbm>>) dst(%arg5 : memref<256xi32, #tpu.memory_space<vmem>>)
      tpu.yield
    }) : () -> ()
    %dma_start3A = arith.constant 0 : i32
    %dma_start3A_3 = arith.constant 0 : i32
    %dma_start3A_4 = arith.constant 0 : i32
    %dma_start3A_5 = tpu.memref_slice %arg6[%dma_start3A, %dma_start3A_3, %dma_start3A_4] : memref<2x8x4096xf32, #tpu.memory_space<vmem>> -> memref<1x8x4096xf32, #tpu.memory_space<vmem>>
    %dma_start3A_6 = tpu.memref_squeeze %dma_start3A_5 : memref<1x8x4096xf32, #tpu.memory_space<vmem>> -> memref<8x4096xf32, #tpu.memory_space<vmem>>
    %dma_start3A_7 = arith.constant 0 : i32
    %dma_start3A_8 = tpu.memref_slice %arg5[%dma_start3A_7] : memref<256xi32, #tpu.memory_space<vmem>> -> memref<8xi32, #tpu.memory_space<vmem>>
    %dma_start3A_9 = arith.constant 0 : i32
    %dma_start3A_10 = arith.constant 0 : i32
    %dma_start3A_11 = tpu.memref_slice %arg3[%dma_start3A_9, %dma_start3A_10] : memref<65024x4096xf32, #tpu.memory_space<hbm>> -> memref<65024x4096xf32, #tpu.memory_space<hbm>>
    tpu.enqueue_indirect_dma source(%dma_start3A_11 : memref<65024x4096xf32, #tpu.memory_space<hbm>>) target(%dma_start3A_6 : memref<8x4096xf32, #tpu.memory_space<vmem>>) offsets(%dma_start3A_8 : memref<8xi32, #tpu.memory_space<vmem>>) semaphore(%arg7 : memref<!tpu.dma_semaphore, #tpu.memory_space<semaphore_mem>>)
    %scan3A = arith.constant 0 : i32
    %scan3A_12 = arith.constant 16 : i32
    %scan3A_13 = arith.addi %scan3A, %scan3A_12 : i32
    %scan3A_14 = arith.constant 1 : i32
    scf.for %scan3A_45 = %scan3A to %scan3A_13 step %scan3A_14  : i32 {
      %mul3A_46 = arith.constant 2 : i32
      %mul3A_47 = arith.muli %scan3A_45, %mul3A_46 : i32
      %add3A_48 = arith.constant 0 : i32
      %add3A_49 = arith.addi %add3A_48, %mul3A_47 : i32
      %add3A_50 = arith.constant 0 : i32
      %add3A_51 = arith.addi %add3A_49, %add3A_50 : i32
      %add3A_52 = arith.constant 1 : i32
      %add3A_53 = arith.addi %add3A_51, %add3A_52 : i32
      %lt3A = arith.constant 32 : i32
      %lt3A_54 = arith.cmpi slt, %add3A_53, %lt3A : i32
      %convert_element_type3A = arith.extui %lt3A_54 : i1 to i32
      %cond3A = arith.constant 0 : i32
      %cond3A_55 = arith.cmpi ne, %convert_element_type3A, %cond3A : i32
      scf.if %cond3A_55 {
        %add3A_119 = arith.constant 1 : i32
        %add3A_120 = arith.addi %add3A_51, %add3A_119 : i32
        %sub3A = arith.constant 2 : i32
        %sub3A_121 = arith.subi %add3A_120, %sub3A : i32
        %ge3A = arith.constant 0 : i32
        %ge3A_122 = arith.cmpi sge, %sub3A_121, %ge3A : i32
        %convert_element_type3A_123 = arith.extui %ge3A_122 : i1 to i32
        %cond3A_124 = arith.constant 0 : i32
        %cond3A_125 = arith.cmpi ne, %convert_element_type3A_123, %cond3A_124 : i32
        scf.if %cond3A_125 {
          %add3A_139 = arith.constant 1 : i32
          %add3A_140 = arith.addi %add3A_51, %add3A_139 : i32
          %sub3A_141 = arith.constant 2 : i32
          %sub3A_142 = arith.subi %add3A_140, %sub3A_141 : i32
          %mul3A_143 = arith.constant 8 : i32
          %mul3A_144 = arith.muli %sub3A_142, %mul3A_143 : i32
          %add3A_145 = arith.addi %mul3A_2, %mul3A_144 : i32
          %dma_wait3A_146 = arith.constant 1 : i32
          %dma_wait3A_147 = arith.constant 0 : i32
          %dma_wait3A_148 = arith.constant 0 : i32
          %dma_wait3A_149 = tpu.memref_slice %arg6[%dma_wait3A_146, %dma_wait3A_147, %dma_wait3A_148] : memref<2x8x4096xf32, #tpu.memory_space<vmem>> -> memref<1x8x4096xf32, #tpu.memory_space<vmem>>
          %dma_wait3A_150 = tpu.memref_squeeze %dma_wait3A_149 : memref<1x8x4096xf32, #tpu.memory_space<vmem>> -> memref<8x4096xf32, #tpu.memory_space<vmem>>
          %dma_wait3A_151 = arith.constant 0 : i32
          %dma_wait3A_152 = tpu.memref_slice %arg4[%add3A_145, %dma_wait3A_151] : memref<8192x4096xf32, #tpu.memory_space<hbm>> -> memref<8x4096xf32, #tpu.memory_space<hbm>>
          %dma_wait3A_153 = arith.constant 0 : i32
          %dma_wait3A_154 = tpu.memref_slice %arg4[%add3A_145, %dma_wait3A_153] : memref<8192x4096xf32, #tpu.memory_space<hbm>> -> memref<8x4096xf32, #tpu.memory_space<hbm>>
          %dma_wait3A_155 = arith.constant 0 : i32
          %dma_wait3A_156 = arith.constant 0 : i32
          %dma_wait3A_157 = tpu.memref_slice %arg6[%dma_wait3A_146, %dma_wait3A_155, %dma_wait3A_156] : memref<2x8x4096xf32, #tpu.memory_space<vmem>> -> memref<1x8x4096xf32, #tpu.memory_space<vmem>>
          %dma_wait3A_158 = tpu.memref_squeeze %dma_wait3A_157 : memref<1x8x4096xf32, #tpu.memory_space<vmem>> -> memref<8x4096xf32, #tpu.memory_space<vmem>>
          tpu.wait_dma2 semaphore(%arg10 : memref<!tpu.dma_semaphore, #tpu.memory_space<semaphore_mem>>) src(%dma_wait3A_158 : memref<8x4096xf32, #tpu.memory_space<vmem>>) dst(%dma_wait3A_154 : memref<8x4096xf32, #tpu.memory_space<hbm>>)
        } else {
        }
        %add3A_126 = arith.constant 1 : i32
        %add3A_127 = arith.addi %add3A_51, %add3A_126 : i32
        %mul3A_128 = arith.constant 8 : i32
        %mul3A_129 = arith.muli %add3A_127, %mul3A_128 : i32
        %dma_start3A_130 = arith.constant 1 : i32
        %dma_start3A_131 = arith.constant 0 : i32
        %dma_start3A_132 = arith.constant 0 : i32
        %dma_start3A_133 = tpu.memref_slice %arg6[%dma_start3A_130, %dma_start3A_131, %dma_start3A_132] : memref<2x8x4096xf32, #tpu.memory_space<vmem>> -> memref<1x8x4096xf32, #tpu.memory_space<vmem>>
        %dma_start3A_134 = tpu.memref_squeeze %dma_start3A_133 : memref<1x8x4096xf32, #tpu.memory_space<vmem>> -> memref<8x4096xf32, #tpu.memory_space<vmem>>
        %dma_start3A_135 = tpu.memref_slice %arg5[%mul3A_129] : memref<256xi32, #tpu.memory_space<vmem>> -> memref<8xi32, #tpu.memory_space<vmem>>
        %dma_start3A_136 = arith.constant 0 : i32
        %dma_start3A_137 = arith.constant 0 : i32
        %dma_start3A_138 = tpu.memref_slice %arg3[%dma_start3A_136, %dma_start3A_137] : memref<65024x4096xf32, #tpu.memory_space<hbm>> -> memref<65024x4096xf32, #tpu.memory_space<hbm>>
        tpu.enqueue_indirect_dma source(%dma_start3A_138 : memref<65024x4096xf32, #tpu.memory_space<hbm>>) target(%dma_start3A_134 : memref<8x4096xf32, #tpu.memory_space<vmem>>) offsets(%dma_start3A_135 : memref<8xi32, #tpu.memory_space<vmem>>) semaphore(%arg8 : memref<!tpu.dma_semaphore, #tpu.memory_space<semaphore_mem>>)
      } else {
      }
      %mul3A_56 = arith.constant 8 : i32
      %mul3A_57 = arith.muli %add3A_51, %mul3A_56 : i32
      %dma_wait3A_58 = arith.constant 0 : i32
      %dma_wait3A_59 = arith.constant 0 : i32
      %dma_wait3A_60 = arith.constant 0 : i32
      %dma_wait3A_61 = tpu.memref_slice %arg6[%dma_wait3A_58, %dma_wait3A_59, %dma_wait3A_60] : memref<2x8x4096xf32, #tpu.memory_space<vmem>> -> memref<1x8x4096xf32, #tpu.memory_space<vmem>>
      %dma_wait3A_62 = tpu.memref_squeeze %dma_wait3A_61 : memref<1x8x4096xf32, #tpu.memory_space<vmem>> -> memref<8x4096xf32, #tpu.memory_space<vmem>>
      %dma_wait3A_63 = tpu.memref_slice %arg5[%mul3A_57] : memref<256xi32, #tpu.memory_space<vmem>> -> memref<8xi32, #tpu.memory_space<vmem>>
      %dma_wait3A_64 = arith.constant 0 : i32
      %dma_wait3A_65 = arith.constant 0 : i32
      %dma_wait3A_66 = tpu.memref_slice %arg3[%dma_wait3A_64, %dma_wait3A_65] : memref<65024x4096xf32, #tpu.memory_space<hbm>> -> memref<65024x4096xf32, #tpu.memory_space<hbm>>
      tpu.wait_indirect_dma semaphore(%arg7 : memref<!tpu.dma_semaphore, #tpu.memory_space<semaphore_mem>>) src(%dma_wait3A_66 : memref<65024x4096xf32, #tpu.memory_space<hbm>>) dst(%dma_wait3A_62 : memref<8x4096xf32, #tpu.memory_space<vmem>>)
      %mul3A_67 = arith.constant 8 : i32
      %mul3A_68 = arith.muli %add3A_51, %mul3A_67 : i32
      %add3A_69 = arith.addi %mul3A_2, %mul3A_68 : i32
      %dma_start3A_70 = arith.constant 0 : i32
      %dma_start3A_71 = arith.constant 0 : i32
      %dma_start3A_72 = arith.constant 0 : i32
      %dma_start3A_73 = tpu.memref_slice %arg6[%dma_start3A_70, %dma_start3A_71, %dma_start3A_72] : memref<2x8x4096xf32, #tpu.memory_space<vmem>> -> memref<1x8x4096xf32, #tpu.memory_space<vmem>>
      %dma_start3A_74 = tpu.memref_squeeze %dma_start3A_73 : memref<1x8x4096xf32, #tpu.memory_space<vmem>> -> memref<8x4096xf32, #tpu.memory_space<vmem>>
      %dma_start3A_75 = arith.constant 0 : i32
      %dma_start3A_76 = tpu.memref_slice %arg4[%add3A_69, %dma_start3A_75] : memref<8192x4096xf32, #tpu.memory_space<hbm>> -> memref<8x4096xf32, #tpu.memory_space<hbm>>
      %dma_start3A_77 = arith.constant 0 : i32
      %dma_start3A_78 = tpu.memref_slice %arg4[%add3A_69, %dma_start3A_77] : memref<8192x4096xf32, #tpu.memory_space<hbm>> -> memref<8x4096xf32, #tpu.memory_space<hbm>>
      %dma_start3A_79 = arith.constant 0 : i32
      %dma_start3A_80 = arith.constant 0 : i32
      %dma_start3A_81 = tpu.memref_slice %arg6[%dma_start3A_70, %dma_start3A_79, %dma_start3A_80] : memref<2x8x4096xf32, #tpu.memory_space<vmem>> -> memref<1x8x4096xf32, #tpu.memory_space<vmem>>
      %dma_start3A_82 = tpu.memref_squeeze %dma_start3A_81 : memref<1x8x4096xf32, #tpu.memory_space<vmem>> -> memref<8x4096xf32, #tpu.memory_space<vmem>>
      tpu.enqueue_dma source(%dma_start3A_82 : memref<8x4096xf32, #tpu.memory_space<vmem>>) target(%dma_start3A_78 : memref<8x4096xf32, #tpu.memory_space<hbm>>) target_semaphore(%arg9 : memref<!tpu.dma_semaphore, #tpu.memory_space<semaphore_mem>>)
      %add3A_83 = arith.constant 1 : i32
      %add3A_84 = arith.addi %add3A_49, %add3A_83 : i32
      %add3A_85 = arith.constant 1 : i32
      %add3A_86 = arith.addi %add3A_84, %add3A_85 : i32
      %lt3A_87 = arith.constant 32 : i32
      %lt3A_88 = arith.cmpi slt, %add3A_86, %lt3A_87 : i32
      %convert_element_type3A_89 = arith.extui %lt3A_88 : i1 to i32
      %cond3A_90 = arith.constant 0 : i32
      %cond3A_91 = arith.cmpi ne, %convert_element_type3A_89, %cond3A_90 : i32
      scf.if %cond3A_91 {
        %add3A_119 = arith.constant 1 : i32
        %add3A_120 = arith.addi %add3A_84, %add3A_119 : i32
        %sub3A = arith.constant 2 : i32
        %sub3A_121 = arith.subi %add3A_120, %sub3A : i32
        %ge3A = arith.constant 0 : i32
        %ge3A_122 = arith.cmpi sge, %sub3A_121, %ge3A : i32
        %convert_element_type3A_123 = arith.extui %ge3A_122 : i1 to i32
        %cond3A_124 = arith.constant 0 : i32
        %cond3A_125 = arith.cmpi ne, %convert_element_type3A_123, %cond3A_124 : i32
        scf.if %cond3A_125 {
          %add3A_139 = arith.constant 1 : i32
          %add3A_140 = arith.addi %add3A_84, %add3A_139 : i32
          %sub3A_141 = arith.constant 2 : i32
          %sub3A_142 = arith.subi %add3A_140, %sub3A_141 : i32
          %mul3A_143 = arith.constant 8 : i32
          %mul3A_144 = arith.muli %sub3A_142, %mul3A_143 : i32
          %add3A_145 = arith.addi %mul3A_2, %mul3A_144 : i32
          %dma_wait3A_146 = arith.constant 0 : i32
          %dma_wait3A_147 = arith.constant 0 : i32
          %dma_wait3A_148 = arith.constant 0 : i32
          %dma_wait3A_149 = tpu.memref_slice %arg6[%dma_wait3A_146, %dma_wait3A_147, %dma_wait3A_148] : memref<2x8x4096xf32, #tpu.memory_space<vmem>> -> memref<1x8x4096xf32, #tpu.memory_space<vmem>>
          %dma_wait3A_150 = tpu.memref_squeeze %dma_wait3A_149 : memref<1x8x4096xf32, #tpu.memory_space<vmem>> -> memref<8x4096xf32, #tpu.memory_space<vmem>>
          %dma_wait3A_151 = arith.constant 0 : i32
          %dma_wait3A_152 = tpu.memref_slice %arg4[%add3A_145, %dma_wait3A_151] : memref<8192x4096xf32, #tpu.memory_space<hbm>> -> memref<8x4096xf32, #tpu.memory_space<hbm>>
          %dma_wait3A_153 = arith.constant 0 : i32
          %dma_wait3A_154 = tpu.memref_slice %arg4[%add3A_145, %dma_wait3A_153] : memref<8192x4096xf32, #tpu.memory_space<hbm>> -> memref<8x4096xf32, #tpu.memory_space<hbm>>
          %dma_wait3A_155 = arith.constant 0 : i32
          %dma_wait3A_156 = arith.constant 0 : i32
          %dma_wait3A_157 = tpu.memref_slice %arg6[%dma_wait3A_146, %dma_wait3A_155, %dma_wait3A_156] : memref<2x8x4096xf32, #tpu.memory_space<vmem>> -> memref<1x8x4096xf32, #tpu.memory_space<vmem>>
          %dma_wait3A_158 = tpu.memref_squeeze %dma_wait3A_157 : memref<1x8x4096xf32, #tpu.memory_space<vmem>> -> memref<8x4096xf32, #tpu.memory_space<vmem>>
          tpu.wait_dma2 semaphore(%arg9 : memref<!tpu.dma_semaphore, #tpu.memory_space<semaphore_mem>>) src(%dma_wait3A_158 : memref<8x4096xf32, #tpu.memory_space<vmem>>) dst(%dma_wait3A_154 : memref<8x4096xf32, #tpu.memory_space<hbm>>)
        } else {
        }
        %add3A_126 = arith.constant 1 : i32
        %add3A_127 = arith.addi %add3A_84, %add3A_126 : i32
        %mul3A_128 = arith.constant 8 : i32
        %mul3A_129 = arith.muli %add3A_127, %mul3A_128 : i32
        %dma_start3A_130 = arith.constant 0 : i32
        %dma_start3A_131 = arith.constant 0 : i32
        %dma_start3A_132 = arith.constant 0 : i32
        %dma_start3A_133 = tpu.memref_slice %arg6[%dma_start3A_130, %dma_start3A_131, %dma_start3A_132] : memref<2x8x4096xf32, #tpu.memory_space<vmem>> -> memref<1x8x4096xf32, #tpu.memory_space<vmem>>
        %dma_start3A_134 = tpu.memref_squeeze %dma_start3A_133 : memref<1x8x4096xf32, #tpu.memory_space<vmem>> -> memref<8x4096xf32, #tpu.memory_space<vmem>>
        %dma_start3A_135 = tpu.memref_slice %arg5[%mul3A_129] : memref<256xi32, #tpu.memory_space<vmem>> -> memref<8xi32, #tpu.memory_space<vmem>>
        %dma_start3A_136 = arith.constant 0 : i32
        %dma_start3A_137 = arith.constant 0 : i32
        %dma_start3A_138 = tpu.memref_slice %arg3[%dma_start3A_136, %dma_start3A_137] : memref<65024x4096xf32, #tpu.memory_space<hbm>> -> memref<65024x4096xf32, #tpu.memory_space<hbm>>
        tpu.enqueue_indirect_dma source(%dma_start3A_138 : memref<65024x4096xf32, #tpu.memory_space<hbm>>) target(%dma_start3A_134 : memref<8x4096xf32, #tpu.memory_space<vmem>>) offsets(%dma_start3A_135 : memref<8xi32, #tpu.memory_space<vmem>>) semaphore(%arg7 : memref<!tpu.dma_semaphore, #tpu.memory_space<semaphore_mem>>)
      } else {
      }
      %mul3A_92 = arith.constant 8 : i32
      %mul3A_93 = arith.muli %add3A_84, %mul3A_92 : i32
      %dma_wait3A_94 = arith.constant 1 : i32
      %dma_wait3A_95 = arith.constant 0 : i32
      %dma_wait3A_96 = arith.constant 0 : i32
      %dma_wait3A_97 = tpu.memref_slice %arg6[%dma_wait3A_94, %dma_wait3A_95, %dma_wait3A_96] : memref<2x8x4096xf32, #tpu.memory_space<vmem>> -> memref<1x8x4096xf32, #tpu.memory_space<vmem>>
      %dma_wait3A_98 = tpu.memref_squeeze %dma_wait3A_97 : memref<1x8x4096xf32, #tpu.memory_space<vmem>> -> memref<8x4096xf32, #tpu.memory_space<vmem>>
      %dma_wait3A_99 = tpu.memref_slice %arg5[%mul3A_93] : memref<256xi32, #tpu.memory_space<vmem>> -> memref<8xi32, #tpu.memory_space<vmem>>
      %dma_wait3A_100 = arith.constant 0 : i32
      %dma_wait3A_101 = arith.constant 0 : i32
      %dma_wait3A_102 = tpu.memref_slice %arg3[%dma_wait3A_100, %dma_wait3A_101] : memref<65024x4096xf32, #tpu.memory_space<hbm>> -> memref<65024x4096xf32, #tpu.memory_space<hbm>>
      tpu.wait_indirect_dma semaphore(%arg8 : memref<!tpu.dma_semaphore, #tpu.memory_space<semaphore_mem>>) src(%dma_wait3A_102 : memref<65024x4096xf32, #tpu.memory_space<hbm>>) dst(%dma_wait3A_98 : memref<8x4096xf32, #tpu.memory_space<vmem>>)
      %mul3A_103 = arith.constant 8 : i32
      %mul3A_104 = arith.muli %add3A_84, %mul3A_103 : i32
      %add3A_105 = arith.addi %mul3A_2, %mul3A_104 : i32
      %dma_start3A_106 = arith.constant 1 : i32
      %dma_start3A_107 = arith.constant 0 : i32
      %dma_start3A_108 = arith.constant 0 : i32
      %dma_start3A_109 = tpu.memref_slice %arg6[%dma_start3A_106, %dma_start3A_107, %dma_start3A_108] : memref<2x8x4096xf32, #tpu.memory_space<vmem>> -> memref<1x8x4096xf32, #tpu.memory_space<vmem>>
      %dma_start3A_110 = tpu.memref_squeeze %dma_start3A_109 : memref<1x8x4096xf32, #tpu.memory_space<vmem>> -> memref<8x4096xf32, #tpu.memory_space<vmem>>
      %dma_start3A_111 = arith.constant 0 : i32
      %dma_start3A_112 = tpu.memref_slice %arg4[%add3A_105, %dma_start3A_111] : memref<8192x4096xf32, #tpu.memory_space<hbm>> -> memref<8x4096xf32, #tpu.memory_space<hbm>>
      %dma_start3A_113 = arith.constant 0 : i32
      %dma_start3A_114 = tpu.memref_slice %arg4[%add3A_105, %dma_start3A_113] : memref<8192x4096xf32, #tpu.memory_space<hbm>> -> memref<8x4096xf32, #tpu.memory_space<hbm>>
      %dma_start3A_115 = arith.constant 0 : i32
      %dma_start3A_116 = arith.constant 0 : i32
      %dma_start3A_117 = tpu.memref_slice %arg6[%dma_start3A_106, %dma_start3A_115, %dma_start3A_116] : memref<2x8x4096xf32, #tpu.memory_space<vmem>> -> memref<1x8x4096xf32, #tpu.memory_space<vmem>>
      %dma_start3A_118 = tpu.memref_squeeze %dma_start3A_117 : memref<1x8x4096xf32, #tpu.memory_space<vmem>> -> memref<8x4096xf32, #tpu.memory_space<vmem>>
      tpu.enqueue_dma source(%dma_start3A_118 : memref<8x4096xf32, #tpu.memory_space<vmem>>) target(%dma_start3A_114 : memref<8x4096xf32, #tpu.memory_space<hbm>>) target_semaphore(%arg10 : memref<!tpu.dma_semaphore, #tpu.memory_space<semaphore_mem>>)
    }
    %scan3A_15 = arith.constant 16 : i32
    %add3A_16 = arith.constant 240 : i32
    %add3A_17 = arith.addi %mul3A_2, %add3A_16 : i32
    %dma_wait3A = arith.constant 0 : i32
    %dma_wait3A_18 = arith.constant 0 : i32
    %dma_wait3A_19 = arith.constant 0 : i32
    %dma_wait3A_20 = tpu.memref_slice %arg6[%dma_wait3A, %dma_wait3A_18, %dma_wait3A_19] : memref<2x8x4096xf32, #tpu.memory_space<vmem>> -> memref<1x8x4096xf32, #tpu.memory_space<vmem>>
    %dma_wait3A_21 = tpu.memref_squeeze %dma_wait3A_20 : memref<1x8x4096xf32, #tpu.memory_space<vmem>> -> memref<8x4096xf32, #tpu.memory_space<vmem>>
    %dma_wait3A_22 = arith.constant 0 : i32
    %dma_wait3A_23 = tpu.memref_slice %arg4[%add3A_17, %dma_wait3A_22] : memref<8192x4096xf32, #tpu.memory_space<hbm>> -> memref<8x4096xf32, #tpu.memory_space<hbm>>
    %dma_wait3A_24 = arith.constant 0 : i32
    %dma_wait3A_25 = tpu.memref_slice %arg4[%add3A_17, %dma_wait3A_24] : memref<8192x4096xf32, #tpu.memory_space<hbm>> -> memref<8x4096xf32, #tpu.memory_space<hbm>>
    %dma_wait3A_26 = arith.constant 0 : i32
    %dma_wait3A_27 = arith.constant 0 : i32
    %dma_wait3A_28 = tpu.memref_slice %arg6[%dma_wait3A, %dma_wait3A_26, %dma_wait3A_27] : memref<2x8x4096xf32, #tpu.memory_space<vmem>> -> memref<1x8x4096xf32, #tpu.memory_space<vmem>>
    %dma_wait3A_29 = tpu.memref_squeeze %dma_wait3A_28 : memref<1x8x4096xf32, #tpu.memory_space<vmem>> -> memref<8x4096xf32, #tpu.memory_space<vmem>>
    tpu.wait_dma2 semaphore(%arg9 : memref<!tpu.dma_semaphore, #tpu.memory_space<semaphore_mem>>) src(%dma_wait3A_29 : memref<8x4096xf32, #tpu.memory_space<vmem>>) dst(%dma_wait3A_25 : memref<8x4096xf32, #tpu.memory_space<hbm>>)
    %add3A_30 = arith.constant 248 : i32
    %add3A_31 = arith.addi %mul3A_2, %add3A_30 : i32
    %dma_wait3A_32 = arith.constant 1 : i32
    %dma_wait3A_33 = arith.constant 0 : i32
    %dma_wait3A_34 = arith.constant 0 : i32
    %dma_wait3A_35 = tpu.memref_slice %arg6[%dma_wait3A_32, %dma_wait3A_33, %dma_wait3A_34] : memref<2x8x4096xf32, #tpu.memory_space<vmem>> -> memref<1x8x4096xf32, #tpu.memory_space<vmem>>
    %dma_wait3A_36 = tpu.memref_squeeze %dma_wait3A_35 : memref<1x8x4096xf32, #tpu.memory_space<vmem>> -> memref<8x4096xf32, #tpu.memory_space<vmem>>
    %dma_wait3A_37 = arith.constant 0 : i32
    %dma_wait3A_38 = tpu.memref_slice %arg4[%add3A_31, %dma_wait3A_37] : memref<8192x4096xf32, #tpu.memory_space<hbm>> -> memref<8x4096xf32, #tpu.memory_space<hbm>>
    %dma_wait3A_39 = arith.constant 0 : i32
    %dma_wait3A_40 = tpu.memref_slice %arg4[%add3A_31, %dma_wait3A_39] : memref<8192x4096xf32, #tpu.memory_space<hbm>> -> memref<8x4096xf32, #tpu.memory_space<hbm>>
    %dma_wait3A_41 = arith.constant 0 : i32
    %dma_wait3A_42 = arith.constant 0 : i32
    %dma_wait3A_43 = tpu.memref_slice %arg6[%dma_wait3A_32, %dma_wait3A_41, %dma_wait3A_42] : memref<2x8x4096xf32, #tpu.memory_space<vmem>> -> memref<1x8x4096xf32, #tpu.memory_space<vmem>>
    %dma_wait3A_44 = tpu.memref_squeeze %dma_wait3A_43 : memref<1x8x4096xf32, #tpu.memory_space<vmem>> -> memref<8x4096xf32, #tpu.memory_space<vmem>>
    tpu.wait_dma2 semaphore(%arg10 : memref<!tpu.dma_semaphore, #tpu.memory_space<semaphore_mem>>) src(%dma_wait3A_44 : memref<8x4096xf32, #tpu.memory_space<vmem>>) dst(%dma_wait3A_40 : memref<8x4096xf32, #tpu.memory_space<hbm>>)
    return
  }
}

</mosaic_0001>

<sc_bundles>
// kernel: _gather_rows.3.cloned.1.call-start
scs
__scs_entry_jumppad:
0x0: {  	(pc) =	sbr.rel $0x88, $3  }
0x1: {  	(tag) =	ssettag $0x0;
	lr =	simm.s32 $0x1  }
0x2: {  	[smem:$0x3F9F] =	sst lr;
	_ =	strace $0xD0000000  }
0x3: {  	_ = 	snop  }
0x4: {  	_ = 	snop  }
0x5: {  	_ = 	snop  }
0x6: {  	_ = 	snop  }
0x7: {  	_ = 	snop  }
__scs_overlays_trampoline_lowered:
0x8: {  	[smem:$0x3FAE] =	sst s0  }
0x9: {  	[smem:$0x3FAF] =	sst s1  }
0xa: {  	[smem:$0x3FB0] =	sst s2  }
0xb: {  	[smem:$0x3FB1] =	sst s3  }
0xc: {  	[smem:$0x3FB2] =	sst s4  }
0xd: {  	[smem:$0x3FB3] =	sst s5  }
0xe: {  	[smem:$0x3FB4] =	sst s6  }
0xf: {  	[smem:$0x3FB5] =	sst s7  }
0x10: {  	[smem:$0x3FB6] =	sst s8  }
0x11: {  	[smem:$0x3FB7] =	sst s9;
	s0 =	simm.s32 @!p0 $0x0  }
0x12: {  	s1 =	sld [smem:$0x3F9D];
	s0 =	simm.s32 @p0 $0x1  }
0x13: {  	[smem:$0x3FB8] =	sst s0;
	s0 =	simm.s32 @!p1 $0x0  }
0x14: {  	s2 =	sld [smem:$0x3F9C];
	s0 =	simm.s32 @p1 $0x1  }
0x15: {  	[smem:$0x3FB9] =	sst s0;
	s0 =	simm.s32 @!p2 $0x0  }
0x16: {  	s3 =	sld [smem:$0x3FDB];
	s0 =	simm.s32 @p2 $0x1  }
0x17: {  	s4 =	simm.s32 $0x1BF5;
	[smem:$0x3FBB] =	sst s0  }
0x18: {  	s0 =	sld [smem:$0x3F9E];
	_ =	swait.ge [sflag:s4], $0x0  }
0x19: {  	s7 =	sld [smem:$0x3F9F]  }
0x1a: {  	s8 =	sadd.s32 $0xFFFFE003, lr  }
0x1b: {  	s9 =	sadd.s32 $0xFFFFFEF7, lr;
	s5 =	simm.s32 $0xFFFFFFFF;
	p2 =	slt.u32 s8, $0xFFFFF086  }
0x1c: {  	p1 =	slt.u32 s9, $0xF7A;
	s5 =	simm.s32 @!p2 $0x0  }
0x1d: {  	s5 =	simm.s32 @p1 $0x1;
	p0 =	seq.s32 s7, s2  }
0x1e: {  	s7 =	smul.u32 @!p0 $0xF7A, s2;
	p2 =	seq.s32 @!p0 s5, $0x0  }
0x1f: {  	s9 =	smul.u32 $0xF7A, s1;
	s8 =	simm.s32 @!p0 $0x1BF5;
	p2 =	por !p2, p0  }
0x20: {  	[sflag:s8] =	ssyncset.s32 @!p0 $0xFFFFF086;
	s6 =	sadd.s32 @!p0 s3, s7;
	s7 =	simm.s32 @!p0 $0x108  }
0x21: {  	s3 =	sadd.s32 s3, s9;
	s6 =	sadd.s32 @!p0 $0x88, s6;
	s7 =	simm.s32 @p2 $0x1082  }
0x22: {  	[simem:s7], [sflag:s8] =	dma.local @!p0 [hbm:s6], $0xF7A  }
0x23: {  	s9 =	sor.u32 $0xD0000000, s2;
	s6 =	simm.s32 $0x108;
	_ =	swait.ge @!p0 [sflag:s8], $0x0  }
0x24: {  	s3 =	sadd.s32 $0x88, s3;
	s6 =	simm.s32 @!p1 $0x1082;
	[sflag:s4] =	ssyncset.s32 $0xFFFFF086  }
0x25: {  	[simem:s6], [sflag:s4] =	dma.local [hbm:s3], $0xF7A  }
0x26: {  	[smem:$0x3F9F] =	sst s1;
	(tag) =	ssettag s2;
	_ =	strace s9  }
0x27: {  	s1 =	sld [smem:$0x3FAF]  }
0x28: {  	s2 =	sld [smem:$0x3FB0]  }
0x29: {  	s4 =	sld [smem:$0x3FB2]  }
0x2a: {  	p0 =	seq.s32 s5, $0x0;
	s5 =	sld [smem:$0x3FB3]  }
0x2b: {  	s6 =	sld [smem:$0x3FB4]  }
0x2c: {  	s7 =	sld [smem:$0x3FB5]  }
0x2d: {  	s3 =	simm.s32 $0x108;
	s8 =	sld [smem:$0x3FB6]  }
0x2e: {  	s3 =	simm.s32 @!p0 $0x1082;
	s9 =	sld [smem:$0x3FB7]  }
0x2f: {  	lr =	sadd.s32 s0, s3;
	s0 =	sld [smem:$0x3FAE]  }
0x30: {  	s3 =	sld [smem:$0x3FB1]  }
0x31: {  	[smem:$0x3FBA] =	sst s10  }
0x32: {  	s10 =	sld [smem:$0x3FB8];
	_ =	sdelay $0x3  }
0x33: {  	p0 =	seq.s32 s10, $0x1;
	s10 =	sld [smem:$0x3FBA];
	_ =	sdelay $0x3  }
0x34: {  	[smem:$0x3FBA] =	sst s10  }
0x35: {  	s10 =	sld [smem:$0x3FB9];
	_ =	sdelay $0x3  }
0x36: {  	p1 =	seq.s32 s10, $0x1;
	s10 =	sld [smem:$0x3FBA];
	_ =	sdelay $0x3  }
0x37: {  	[smem:$0x3FBA] =	sst s10  }
0x38: {  	s10 =	sld [smem:$0x3FBB]  }
0x39: {  	_ = 	snop;
	(pc) =	sbr.ind lr, $3  }
0x3a: {  	_ = 	snop  }
0x3b: {  	_ = 	snop  }
0x3c: {  	p2 =	seq.s32 s10, $0x1;
	s10 =	sld [smem:$0x3FBA]  }
0x3d: {  	_ =	shalt  }
0x3e: {  	_ =	shalt  }
0x3f: {  	_ =	shalt  }
0x40: {  	_ =	shalt  }
0x41: {  	_ =	shalt  }
0x42: {  	_ =	shalt  }
0x43: {  	_ =	shalt  }
0x44: {  	_ =	shalt  }
0x45: {  	_ =	shalt  }
0x46: {  	_ =	shalt  }
0x47: {  	_ =	shalt  }
0x48: {  	_ =	shalt  }
0x49: {  	_ =	shalt  }
0x4a: {  	_ =	shalt  }
0x4b: {  	_ =	shalt  }
0x4c: {  	_ =	shalt  }
0x4d: {  	_ =	shalt  }
0x4e: {  	_ =	shalt  }
0x4f: {  	_ =	shalt  }
0x50: {  	_ =	shalt  }
0x51: {  	_ =	shalt  }
0x52: {  	_ =	shalt  }
0x53: {  	_ =	shalt  }
0x54: {  	_ =	shalt  }
0x55: {  	_ =	shalt  }
0x56: {  	_ =	shalt  }
0x57: {  	_ =	shalt  }
0x58: {  	_ =	shalt  }
0x59: {  	_ =	shalt  }
0x5a: {  	_ =	shalt  }
0x5b: {  	_ =	shalt  }
0x5c: {  	_ =	shalt  }
0x5d: {  	_ =	shalt  }
0x5e: {  	_ =	shalt  }
0x5f: {  	_ =	shalt  }
0x60: {  	_ =	shalt  }
0x61: {  	_ =	shalt  }
0x62: {  	_ =	shalt  }
0x63: {  	_ =	shalt  }
0x64: {  	_ =	shalt  }
0x65: {  	_ =	shalt  }
0x66: {  	_ =	shalt  }
0x67: {  	_ =	shalt  }
0x68: {  	_ =	shalt  }
0x69: {  	_ =	shalt  }
0x6a: {  	_ =	shalt  }
0x6b: {  	_ =	shalt  }
0x6c: {  	_ =	shalt  }
0x6d: {  	_ =	shalt  }
0x6e: {  	_ =	shalt  }
0x6f: {  	_ =	shalt  }
0x70: {  	_ =	shalt  }
0x71: {  	_ =	shalt  }
0x72: {  	_ =	shalt  }
0x73: {  	_ =	shalt  }
0x74: {  	_ =	shalt  }
0x75: {  	_ =	shalt  }
0x76: {  	_ =	shalt  }
0x77: {  	_ =	shalt  }
0x78: {  	_ =	shalt  }
0x79: {  	_ =	shalt  }
0x7a: {  	_ =	shalt  }
0x7b: {  	_ =	shalt  }
0x7c: {  	_ =	shalt  }
0x7d: {  	_ =	shalt  }
0x7e: {  	_ =	shalt  }
0x7f: {  	_ =	shalt  }
0x80: {  	_ =	shalt  }
0x81: {  	_ =	shalt  }
0x82: {  	_ =	shalt  }
0x83: {  	_ =	shalt  }
0x84: {  	_ =	shalt  }
0x85: {  	_ =	shalt  }
0x86: {  	_ =	shalt  }
0x87: {  	_ =	shalt  }
.Lfunc_end0:
.L_simem_size_0:
called_computation_lowered:
.L_overlay_start_0:
0x88: {  	s2 =	sld [smem:$0x3FD9]  }
0x89: {  	s3 =	sld [smem:$0x3FFE];
	_ =	sdelay $0x1  }
0x8a: {  	s1 =	srdreg.scid  }
0x8b: {  	s0 =	sand.u32 $0x1, s1  }
0x8c: {  	s18 =	sshll.u32 s0, $0xA;
	s2 =	sadd.s32 s3, s2  }
0x8d: {  	s2 =	sadd.s32 s2, s18  }
0x8e: {  	[smem:$0x3FC6] =	sst s2  }
0x8f: {  	_ = 	snop  }
0x90: {  	s2 =	sld [smem:$0x3FC9]  }
0x91: {  	s19 =	sld [smem:$0x3FC8]  }
0x92: {  	s4 =	sld [smem:$0x3FD0];
	(tm) =	ssettm $0x1  }
0x93: {  	s5 =	sld [smem:$0x3FFB];
	_ =	sdelay $0x3  }
0x94: {  	_ =	strace s5  }
0x95: {  	s5 =	sld [smem:$0x3FFC];
	_ =	sdelay $0x3  }
0x96: {  	_ =	strace s5  }
0x97: {  	s5 =	sld [smem:$0x3FFD];
	_ =	sdelay $0x3  }
0x98: {  	_ =	strace s5  }
0x99: {  	_ =	strace $0x8FFFFFFF  }
0x9a: {  	s20 =	sld [smem:$0x3FDB];
	_ =	sdelay $0x1  }
0x9b: {  	s6 =	simm.s32 $_scs_section_size  }
0x9c: {  	s7 =	simm.s32 $_size__tile_overlayer_lowered;
	s8 =	simm.s32 $_tile_overlayer_lowered  }
0x9d: {  	s23 =	simm.s32 $0x1BFF;
	s22 =	sshll.u32 s8, $0x1;
	s5 =	sadd.s32 s6, s20  }
0x9e: {  	s9 =	simm.s32 $0x0;
	s21 =	sshll.u32 s7, $0x1;
	s7 =	sadd.s32 s22, s5  }
0x9f: {  	[timem:s9], [sflag:s23] =	dma.local [hbm:s7], s21  }
0xa0: {  	_ =	swait.ge [sflag:s23], s21  }
0xa1: {  	s6 =	ssub.s32 $0x0, s21;
	[sflag:s23] =	ssyncset.done $0x0  }
0xa2: {  	[sflag:s23] =	ssyncadd.s32 s6;
	_ =	sdelay $0x1  }
0xa3: {  	s24 =	simm.s32 $0x1B8B  }
0xa4: {  	_ =	swait.ge [sflag:s24], $0x1  }
0xa5: {  	[sflag:s24] =	ssyncset.done $0x0  }
0xa6: {  	s25 =	simm.s32 $0x1B8E;
	[sflag:s24] =	ssyncadd.s32 $0xFFFFFFFF  }
0xa7: {  	s26 =	simm.s32 $execute0_lowered;
	[smem:$0x3FD2] =	sst s25  }
0xa8: {  	s6 =	sshll.u32 s26, $0x1;
	_ =	strace $0x80000046;
	[dreg:$0x1] =	wrdreg $0xFFFFFFFF  }
0xa9: {  	s28 =	simm.s32 $_size_execute0_lowered;
	s5 =	sadd.s32 s5, s6;
	[dreg:$0x0] =	wrdreg $0x0  }
0xaa: {  	s6 =	sshll.u32 s28, $0x1;
	[dreg:$0x2] =	wrdreg s5  }
0xab: {  	[dreg:$0x3] =	wrdreg s6  }
0xac: {  	[dreg:$0x4] =	wrdreg $0xC0  }
0xad: {  	_ =	task [dreg:s9], $0x5FFFF  }
0xae: {  	[dreg:$0x1] =	wrdreg $0xFFFFFFFF  }
0xaf: {  	[dreg:$0x0] =	wrdreg $0x60  }
0xb0: {  	[dreg:$0x2] =	wrdreg s2  }
0xb1: {  	[dreg:$0x3] =	wrdreg s19  }
0xb2: {  	[dreg:$0x4] =	wrdreg s4  }
0xb3: {  	[dreg:$0x5] =	wrdreg $0x9  }
0xb4: {  	_ =	task.clear_ibuf [dreg:s9], $0x6FFFF;
	_ =	strace $0x90000046  }
0xb5: {  	s29 =	simm.s32 $0x9;
	_ =	strace $0x80000048  }
0xb6: {  	_ =	swait.ge [sflag:s29], $0x1  }
0xb7: {  	[sflag:s29] =	ssyncadd.s32 $0xFFFFFFFF  }
0xb8: {  	_ =	strace $0x90000048  }
0xb9: {  	_ =	sfence  }
0xba: {  	s30 =	sld [smem:$0x0];
	_ =	sdelay $0x2  }
0xbb: {  	s31 =	sshll.u32 s1, $0xD;
	s1 =	sshrl.u32 s1, $0x2  }
0xbc: {  	s3 =	sand.u32 $0x4000, s31;
	s1 =	sadd.s32 s1, s30  }
0xbd: {  	s0 =	sor.u32 s3, s0;
	s1 =	sshll.u32 s1, $0x11  }
0xbe: {  	s0 =	sor.u32 s1, s0  }
0xbf: {  	s0 =	sadd.s32 $0x8F2B, s0  }
0xc0: {  	[sflag:s0] =	ssyncadd.remote.s32 $0x1  }
0xc1: {  	_ =	sfence.sel $0xFFFF  }
0xc2: {  	[dreg:$0x0] =	wrdreg $0xFFFFFFFF;
	(pc) =	sbr.abs _section_cstart, $3  }
0xc3: {  	[dreg:$0x1] =	wrdreg $0xFFFFFFFF  }
0xc4: {  	_ =	task.clear_ibuf [dreg:s9], $0x2FFFF;
	_ =	strace $0x9FFFFFFF  }
0xc5: {  	(tm) =	ssettm $0x7FFFFFFF  }
tec
execute0_lowered:
.L_overlay_start_1:
0x0: {  	(tag) =	ssettag $0x1  }
0x1: {  	s0 =	rddreg [dreg:$0x0]  }
0x2: {  	s2 =	rddreg [dreg:$0x1];
	s1 =	srdreg.scid  }
0x3: {  	s8 =	rddreg [dreg:$0x2];
	s9 =	stileid.u32  }
0x4: {  	s3 =	simm.s32 $0x0;
	s12 =	simm.s32 $0x8900;
	s13 =	simm.s32 $0x9100  }
0x5: {  	s14 =	simm.s32 $0x9900;
	s15 =	simm.s32 $0xA100;
	s16 =	simm.s32 $0xA900  }
0x6: {  	s17 =	simm.s32 $0xB100;
	s18 =	simm.s32 $0xB900;
	s19 =	simm.s32 $0xC100  }
0x7: {  	s21 =	simm.s32 $0xC900;
	s22 =	simm.s32 $0xD100;
	[smem:$0x7FF] =	sst s3  }
0x8: {  	s23 =	simm.s32 $0xD900;
	_ =	strace $0x80000047;
	[dreg:$0x6] =	wrdreg s12  }
0x9: {  	s24 =	simm.s32 $0xE100;
	s29 =	simm.s32 $0x8100;
	[dreg:$0x7] =	wrdreg s13  }
0xa: {  	s30 =	simm.s32 $0x1;
	s31 =	simm.s32 $0x2;
	[dreg:$0x8] =	wrdreg s14  }
0xb: {  	s1 =	sand.u32 $0x1, s1;
	s4 =	sshll.u32 s9, $0x9;
	[dreg:$0x9] =	wrdreg s15  }
0xc: {  	s26 =	sshll.u32 s9, $0x12;
	s9 =	sadd.s32 $0x500, s2;
	[dreg:$0xa] =	wrdreg s16  }
0xd: {  	s5 =	sshll.u32 s1, $0x8;
	s6 =	ssub.s32 $0x2, s1;
	[dreg:$0xb] =	wrdreg s17  }
0xe: {  	s1 =	sshll.u32 s1, $0x11;
	s12 =	sadd.s32 $0x800, s2;
	[dreg:$0xc] =	wrdreg s18  }
0xf: {  	s13 =	sadd.s32 $0x900, s2;
	s14 =	sadd.s32 $0xA00, s2;
	[dreg:$0xd] =	wrdreg s19  }
0x10: {  	s15 =	sadd.s32 $0xB00, s2;
	s16 =	sadd.s32 $0xC00, s2;
	[dreg:$0xe] =	wrdreg s21  }
0x11: {  	s17 =	sadd.s32 $0xD00, s2;
	s18 =	sadd.s32 $0xE00, s2;
	[dreg:$0xf] =	wrdreg s22  }
0x12: {  	s19 =	sadd.s32 $0xF00, s2;
	[dreg:$0x10] =	wrdreg s23;
	s21 =	simm.s32 $0x5  }
0x13: {  	[dreg:$0x11] =	wrdreg s24;
	s22 =	simm.s32 $0x100;
	s7 =	sor.u32 s5, s4  }
0x14: {  	s23 =	simm.s32 $0x0;
	s25 =	sshrl.u32 s6, $0x1;
	s5 =	sshrl.u32 s7, $0x3  }
0x15: {  	s20 =	ssub.s32 s6, s25;
	s6 =	sadd.s32 $0x200, s2;
	s28 =	sshll.u32 s7, $0x9  }
0x16: {  	s7 =	sadd.s32 $0x300, s2;
	s25 =	simm.s32 $0xE900;
	s4 =	sadd.s32 s0, s5  }
0x17: {  	s5 =	sadd.s32 $0x100, s2;
	s0 =	sadd.s32 s26, s8;
	s10 =	sadd.s32 s28, s8  }
0x18: {  	s8 =	sadd.s32 $0x400, s2;
	[dreg:$0x12] =	wrdreg s25;
	s26 =	simm.s32 $0xF100  }
0x19: {  	s20 =	smax.u32 s20, $0x1;
	s28 =	simm.s32 $0xF900;
	[dreg:$0x13] =	wrdreg s26  }
0x1a: {  	v0 =	vlaneseq.u32;
	s0 =	sadd.s32 s1, s0;
	s11 =	sadd.s32 $0x1000, s10;
	[dreg:$0x14] =	wrdreg s28  }
0x1b: {  	v1 =	vshrl.u32 v0, $0x3;
	s10 =	sadd.s32 $0x600, s2;
	s1 =	simm.s32 $0x4;
	[dreg:$0x4] =	wrdreg s0  }
0x1c: {  	vm0 =	vmmov $0xffff;
	v0 =	vand.u32 $0x7, v0;
	v1 =	vmul.u32 $0x8, v1;
	[dreg:$0x5] =	wrdreg s11;
	s11 =	sadd.s32 $0x700, s2;
	s0 =	simm.s32 $0x3  }
.LBB2_1:
0x1d: {  	[tilespmem:s3], [sflag:$0x5] =	stream.linear.gather [hbm4b:s4+s3], $0x100, $0x38;
	[tilespmem:$0x10100] =	vst v63  }
0x1e: {  	_ =	swait.ge [sflag:s21], $0x100  }
0x1f: {  	[sflag:s21] =	ssyncset.done $0x0  }
0x20: {  	[sflag:s21] =	ssyncadd.s32 $0xFFFFFF00  }
0x21: {  	v2 =	vld.msk [tilespmem:$0x0], $0xff;
	_ =	sdelay $0x4  }
0x22: {  	v3 =	vshll.u32 v2, $0x5  }
0x23: {  	v2 =	vand.u32 $0x7, v2;
	v3 =	vand.u32 $0xFFFFFF00, v3  }
0x24: {  	v2 =	vor.u32 v2, v3  }
0x25: {  	v2 =	vperm.xlane v2, v0;
	_ =	sdelay $0x1  }
0x26: {  	v2 =	vadd.s32 v1, v2;
	_ =	sdelay $0x4  }
0x27: {  	[tilespmem:s22], [sflag:$0x1] =	stream.indirect_vreg.gather [hbm4b:s2+s3], $0x80, v2, vm0, $0xb8;
	[tilespmem:$0x10100] =	vst v63  }
0x28: {  	s24 =	simm.s32 $0x900  }
0x29: {  	[tilespmem:s24], [sflag:$0x1] =	stream.indirect_vreg.gather [hbm4b:s5+s3], $0x80, v2, vm0, $0xb8;
	[tilespmem:$0x10100] =	vst v63  }
0x2a: {  	s26 =	simm.s32 $0x1100  }
0x2b: {  	[tilespmem:s26], [sflag:$0x1] =	stream.indirect_vreg.gather [hbm4b:s6+s3], $0x80, v2, vm0, $0xb8;
	[tilespmem:$0x10100] =	vst v63  }
0x2c: {  	s28 =	simm.s32 $0x1900  }
0x2d: {  	[tilespmem:s28], [sflag:$0x1] =	stream.indirect_vreg.gather [hbm4b:s7+s3], $0x80, v2, vm0, $0xb8;
	[tilespmem:$0x10100] =	vst v63  }
0x2e: {  	s25 =	simm.s32 $0x2100  }
0x2f: {  	[tilespmem:s25], [sflag:$0x1] =	stream.indirect_vreg.gather [hbm4b:s8+s3], $0x80, v2, vm0, $0xb8;
	[tilespmem:$0x10100] =	vst v63  }
0x30: {  	s26 =	simm.s32 $0x2900  }
0x31: {  	[tilespmem:s26], [sflag:$0x1] =	stream.indirect_vreg.gather [hbm4b:s9+s3], $0x80, v2, vm0, $0xb8;
	[tilespmem:$0x10100] =	vst v63  }
0x32: {  	s28 =	simm.s32 $0x3100  }
0x33: {  	[tilespmem:s28], [sflag:$0x1] =	stream.indirect_vreg.gather [hbm4b:s10+s3], $0x80, v2, vm0, $0xb8;
	[tilespmem:$0x10100] =	vst v63  }
0x34: {  	s25 =	simm.s32 $0x3900  }
0x35: {  	[tilespmem:s25], [sflag:$0x1] =	stream.indirect_vreg.gather [hbm4b:s11+s3], $0x80, v2, vm0, $0xb8;
	[tilespmem:$0x10100] =	vst v63  }
0x36: {  	s26 =	simm.s32 $0x4100  }
0x37: {  	[tilespmem:s26], [sflag:$0x1] =	stream.indirect_vreg.gather [hbm4b:s12+s3], $0x80, v2, vm0, $0xb8;
	[tilespmem:$0x10100] =	vst v63  }
0x38: {  	s28 =	simm.s32 $0x4900  }
0x39: {  	[tilespmem:s28], [sflag:$0x1] =	stream.indirect_vreg.gather [hbm4b:s13+s3], $0x80, v2, vm0, $0xb8;
	[tilespmem:$0x10100] =	vst v63  }
0x3a: {  	s25 =	simm.s32 $0x5100  }
0x3b: {  	[tilespmem:s25], [sflag:$0x1] =	stream.indirect_vreg.gather [hbm4b:s14+s3], $0x80, v2, vm0, $0xb8;
	[tilespmem:$0x10100] =	vst v63  }
0x3c: {  	s26 =	simm.s32 $0x5900  }
0x3d: {  	[tilespmem:s26], [sflag:$0x1] =	stream.indirect_vreg.gather [hbm4b:s15+s3], $0x80, v2, vm0, $0xb8;
	[tilespmem:$0x10100] =	vst v63  }
0x3e: {  	s28 =	simm.s32 $0x6100  }
0x3f: {  	[tilespmem:s28], [sflag:$0x1] =	stream.indirect_vreg.gather [hbm4b:s16+s3], $0x80, v2, vm0, $0xb8;
	[tilespmem:$0x10100] =	vst v63  }
0x40: {  	s25 =	simm.s32 $0x6900  }
0x41: {  	[tilespmem:s25], [sflag:$0x1] =	stream.indirect_vreg.gather [hbm4b:s17+s3], $0x80, v2, vm0, $0xb8;
	[tilespmem:$0x10100] =	vst v63  }
0x42: {  	s26 =	simm.s32 $0x7100  }
0x43: {  	[tilespmem:s26], [sflag:$0x1] =	stream.indirect_vreg.gather [hbm4b:s18+s3], $0x80, v2, vm0, $0xb8;
	[tilespmem:$0x10100] =	vst v63  }
0x44: {  	s24 =	simm.s32 $0x10;
	s28 =	simm.s32 $0x7900;
	s25 =	simm.s32 $0x0  }
0x45: {  	[tilespmem:s28], [sflag:$0x1] =	stream.indirect_vreg.gather [hbm4b:s19+s3], $0x80, v2, vm0, $0xb8;
	[tilespmem:$0x10100] =	vst v63  }
.LBB2_2:
0x46: {  	p0 =	seq.s32 s25, $0x0  }
0x47: {  	s26 =	simm.s32 @!p0 $0x4  }
0x48: {  	_ =	swait.ge @!p0 [sflag:s26], $0x8000  }
0x49: {  	[sflag:s26] =	ssyncset.done @!p0 $0x0  }
0x4a: {  	[sflag:s26] =	ssyncadd.s32 @!p0 $0xFFFF8000  }
0x4b: {  	v2 =	vld.msk [tilespmem:s24+$0xFFFFFFF8], $0xff;
	_ =	sdelay $0x4  }
0x4c: {  	v3 =	vshll.u32 v2, $0x5  }
0x4d: {  	v2 =	vand.u32 $0x7, v2;
	v3 =	vand.u32 $0xFFFFFF00, v3  }
0x4e: {  	v2 =	vor.u32 v2, v3  }
0x4f: {  	v2 =	vperm.xlane v2, v0;
	_ =	sdelay $0x1  }
0x50: {  	v2 =	vadd.s32 v1, v2;
	_ =	sdelay $0x4  }
0x51: {  	[tilespmem:s29], [sflag:$0x2] =	stream.indirect_vreg.gather [hbm4b:s2+s3], $0x80, v2, vm0, $0xb8;
	[tilespmem:$0x10100] =	vst v63  }
0x52: {  	s26 =	rddreg [dreg:$0x6]  }
0x53: {  	[tilespmem:s26], [sflag:$0x2] =	stream.indirect_vreg.gather [hbm4b:s5+s3], $0x80, v2, vm0, $0xb8;
	[tilespmem:$0x10100] =	vst v63  }
0x54: {  	s28 =	rddreg [dreg:$0x7]  }
0x55: {  	[tilespmem:s28], [sflag:$0x2] =	stream.indirect_vreg.gather [hbm4b:s6+s3], $0x80, v2, vm0, $0xb8;
	[tilespmem:$0x10100] =	vst v63  }
0x56: {  	s26 =	rddreg [dreg:$0x8]  }
0x57: {  	[tilespmem:s26], [sflag:$0x2] =	stream.indirect_vreg.gather [hbm4b:s7+s3], $0x80, v2, vm0, $0xb8;
	[tilespmem:$0x10100] =	vst v63  }
0x58: {  	s28 =	rddreg [dreg:$0x9]  }
0x59: {  	[tilespmem:s28], [sflag:$0x2] =	stream.indirect_vreg.gather [hbm4b:s8+s3], $0x80, v2, vm0, $0xb8;
	[tilespmem:$0x10100] =	vst v63  }
0x5a: {  	s26 =	rddreg [dreg:$0xa]  }
0x5b: {  	[tilespmem:s26], [sflag:$0x2] =	stream.indirect_vreg.gather [hbm4b:s9+s3], $0x80, v2, vm0, $0xb8;
	[tilespmem:$0x10100] =	vst v63  }
0x5c: {  	s28 =	rddreg [dreg:$0xb]  }
0x5d: {  	[tilespmem:s28], [sflag:$0x2] =	stream.indirect_vreg.gather [hbm4b:s10+s3], $0x80, v2, vm0, $0xb8;
	[tilespmem:$0x10100] =	vst v63  }
0x5e: {  	s26 =	rddreg [dreg:$0xc]  }
0x5f: {  	[tilespmem:s26], [sflag:$0x2] =	stream.indirect_vreg.gather [hbm4b:s11+s3], $0x80, v2, vm0, $0xb8;
	[tilespmem:$0x10100] =	vst v63  }
0x60: {  	s28 =	rddreg [dreg:$0xd]  }
0x61: {  	[tilespmem:s28], [sflag:$0x2] =	stream.indirect_vreg.gather [hbm4b:s12+s3], $0x80, v2, vm0, $0xb8;
	[tilespmem:$0x10100] =	vst v63  }
0x62: {  	s26 =	rddreg [dreg:$0xe]  }
0x63: {  	[tilespmem:s26], [sflag:$0x2] =	stream.indirect_vreg.gather [hbm4b:s13+s3], $0x80, v2, vm0, $0xb8;
	[tilespmem:$0x10100] =	vst v63  }
0x64: {  	s28 =	rddreg [dreg:$0xf]  }
0x65: {  	[tilespmem:s28], [sflag:$0x2] =	stream.indirect_vreg.gather [hbm4b:s14+s3], $0x80, v2, vm0, $0xb8;
	[tilespmem:$0x10100] =	vst v63  }
0x66: {  	s26 =	rddreg [dreg:$0x10]  }
0x67: {  	[tilespmem:s26], [sflag:$0x2] =	stream.indirect_vreg.gather [hbm4b:s15+s3], $0x80, v2, vm0, $0xb8;
	[tilespmem:$0x10100] =	vst v63  }
0x68: {  	s28 =	rddreg [dreg:$0x11]  }
0x69: {  	[tilespmem:s28], [sflag:$0x2] =	stream.indirect_vreg.gather [hbm4b:s16+s3], $0x80, v2, vm0, $0xb8;
	[tilespmem:$0x10100] =	vst v63  }
0x6a: {  	s26 =	rddreg [dreg:$0x12]  }
0x6b: {  	[tilespmem:s26], [sflag:$0x2] =	stream.indirect_vreg.gather [hbm4b:s17+s3], $0x80, v2, vm0, $0xb8;
	[tilespmem:$0x10100] =	vst v63  }
0x6c: {  	s28 =	rddreg [dreg:$0x13]  }
0x6d: {  	[tilespmem:s28], [sflag:$0x2] =	stream.indirect_vreg.gather [hbm4b:s18+s3], $0x80, v2, vm0, $0xb8;
	[tilespmem:$0x10100] =	vst v63  }
0x6e: {  	s26 =	rddreg [dreg:$0x14]  }
0x6f: {  	[tilespmem:s26], [sflag:$0x2] =	stream.indirect_vreg.gather [hbm4b:s19+s3], $0x80, v2, vm0, $0xb8;
	[tilespmem:$0x10100] =	vst v63  }
0x70: {  	_ =	swait.ge [sflag:s30], $0x8000  }
0x71: {  	s28 =	rddreg [dreg:$0x4];
	[sflag:s30] =	ssyncset.done $0x0  }
0x72: {  	p0 =	seq.s32 s25, $0x1E000;
	[sflag:s30] =	ssyncadd.s32 $0xFFFF8000;
	s26 =	sadd.s32 s25, s28  }
0x73: {  	[hbm4b:s26+s3] =	stream.linear.scatter [tilespmem:s22], [sflag:$0x3], $0x8000, $0x38;
	[tilespmem:$0x10100] =	vst v63  }
0x74: {  	s26 =	simm.s32 @!p0 $0x3  }
0x75: {  	_ =	swait.ge @!p0 [sflag:s26], $0x8000  }
0x76: {  	[sflag:s26] =	ssyncset.done @!p0 $0x0  }
0x77: {  	[sflag:s26] =	ssyncadd.s32 @!p0 $0xFFFF8000  }
0x78: {  	v2 =	vld.msk @!p0 [tilespmem:s24+$0x0], $0xff;
	_ =	sdelay $0x4  }
0x79: {  	v3 =	vshll.u32 @!p0 v2, $0x5  }
0x7a: {  	v4 =	vlaneseq.u32 @!p0;
	v2 =	vand.u32 @!p0 $0x7, v2;
	v3 =	vand.u32 @!p0 $0xFFFFFF00, v3  }
0x7b: {  	v2 =	vor.u32 @!p0 v2, v3;
	v3 =	vand.u32 @!p0 $0x7, v4;
	v4 =	vshrl.u32 @!p0 v4, $0x3  }
0x7c: {  	v2 =	vperm.xlane @!p0 v2, v3;
	v3 =	vmul.u32 @!p0 $0x8, v4;
	_ =	sdelay $0x1  }
0x7d: {  	v2 =	vadd.s32 @!p0 v3, v2;
	_ =	sdelay $0x3  }
0x7e: {  	vm1 =	vmmov @!p0 $0xffff;
	s28 =	simm.s32 @!p0 $0x100;
	s26 =	simm.s32 @!p0 $0x0  }
0x7f: {  	[tilespmem:s28], [sflag:$0x1] =	stream.indirect_vreg.gather @!p0 [hbm4b:s2+s26], $0x80, v2, vm1, $0xb8;
	[tilespmem:$0x10100] =	vst v63  }
0x80: {  	s28 =	simm.s32 @!p0 $0x900  }
0x81: {  	[tilespmem:s28], [sflag:$0x1] =	stream.indirect_vreg.gather @!p0 [hbm4b:s5+s26], $0x80, v2, vm1, $0xb8;
	[tilespmem:$0x10100] =	vst v63  }
0x82: {  	s28 =	simm.s32 @!p0 $0x1100  }
0x83: {  	[tilespmem:s28], [sflag:$0x1] =	stream.indirect_vreg.gather @!p0 [hbm4b:s6+s26], $0x80, v2, vm1, $0xb8;
	[tilespmem:$0x10100] =	vst v63  }
0x84: {  	s28 =	simm.s32 @!p0 $0x1900  }
0x85: {  	[tilespmem:s28], [sflag:$0x1] =	stream.indirect_vreg.gather @!p0 [hbm4b:s7+s26], $0x80, v2, vm1, $0xb8;
	[tilespmem:$0x10100] =	vst v63  }
0x86: {  	s28 =	simm.s32 @!p0 $0x2100  }
0x87: {  	[tilespmem:s28], [sflag:$0x1] =	stream.indirect_vreg.gather @!p0 [hbm4b:s8+s26], $0x80, v2, vm1, $0xb8;
	[tilespmem:$0x10100] =	vst v63  }
0x88: {  	s28 =	simm.s32 @!p0 $0x2900  }
0x89: {  	[tilespmem:s28], [sflag:$0x1] =	stream.indirect_vreg.gather @!p0 [hbm4b:s9+s26], $0x80, v2, vm1, $0xb8;
	[tilespmem:$0x10100] =	vst v63  }
0x8a: {  	s28 =	simm.s32 @!p0 $0x3100  }
0x8b: {  	[tilespmem:s28], [sflag:$0x1] =	stream.indirect_vreg.gather @!p0 [hbm4b:s10+s26], $0x80, v2, vm1, $0xb8;
	[tilespmem:$0x10100] =	vst v63  }
0x8c: {  	s28 =	simm.s32 @!p0 $0x3900  }
0x8d: {  	[tilespmem:s28], [sflag:$0x1] =	stream.indirect_vreg.gather @!p0 [hbm4b:s11+s26], $0x80, v2, vm1, $0xb8;
	[tilespmem:$0x10100] =	vst v63  }
0x8e: {  	s28 =	simm.s32 @!p0 $0x4100  }
0x8f: {  	[tilespmem:s28], [sflag:$0x1] =	stream.indirect_vreg.gather @!p0 [hbm4b:s12+s26], $0x80, v2, vm1, $0xb8;
	[tilespmem:$0x10100] =	vst v63  }
0x90: {  	s28 =	simm.s32 @!p0 $0x4900  }
0x91: {  	[tilespmem:s28], [sflag:$0x1] =	stream.indirect_vreg.gather @!p0 [hbm4b:s13+s26], $0x80, v2, vm1, $0xb8;
	[tilespmem:$0x10100] =	vst v63  }
0x92: {  	s28 =	simm.s32 @!p0 $0x5100  }
0x93: {  	[tilespmem:s28], [sflag:$0x1] =	stream.indirect_vreg.gather @!p0 [hbm4b:s14+s26], $0x80, v2, vm1, $0xb8;
	[tilespmem:$0x10100] =	vst v63  }
0x94: {  	s28 =	simm.s32 @!p0 $0x5900  }
0x95: {  	[tilespmem:s28], [sflag:$0x1] =	stream.indirect_vreg.gather @!p0 [hbm4b:s15+s26], $0x80, v2, vm1, $0xb8;
	[tilespmem:$0x10100] =	vst v63  }
0x96: {  	s28 =	simm.s32 @!p0 $0x6100  }
0x97: {  	[tilespmem:s28], [sflag:$0x1] =	stream.indirect_vreg.gather @!p0 [hbm4b:s16+s26], $0x80, v2, vm1, $0xb8;
	[tilespmem:$0x10100] =	vst v63  }
0x98: {  	s28 =	simm.s32 @!p0 $0x6900  }
0x99: {  	[tilespmem:s28], [sflag:$0x1] =	stream.indirect_vreg.gather @!p0 [hbm4b:s17+s26], $0x80, v2, vm1, $0xb8;
	[tilespmem:$0x10100] =	vst v63  }
0x9a: {  	s28 =	simm.s32 @!p0 $0x7100  }
0x9b: {  	[tilespmem:s28], [sflag:$0x1] =	stream.indirect_vreg.gather @!p0 [hbm4b:s18+s26], $0x80, v2, vm1, $0xb8;
	[tilespmem:$0x10100] =	vst v63  }
0x9c: {  	s28 =	simm.s32 @!p0 $0x7900  }
0x9d: {  	[tilespmem:s28], [sflag:$0x1] =	stream.indirect_vreg.gather @!p0 [hbm4b:s19+s26], $0x80, v2, vm1, $0xb8;
	[tilespmem:$0x10100] =	vst v63  }
0x9e: {  	_ =	swait.ge [sflag:s31], $0x8000  }
0x9f: {  	s28 =	rddreg [dreg:$0x5]  }
0xa0: {  	s26 =	sadd.s32 s25, s28;
	s25 =	sadd.s32 $0x2000, s25  }
0xa1: {  	p0 =	sne.s32 s25, $0x20000  }
.Ltmp0:
0xa2: {  	_ = 	snop;
	(pc) =	sbr.rel @p0 .LBB2_2-.Ltmp0, $4  }
0xa3: {  	_ = 	snop  }
0xa4: {  	[sflag:s31] =	ssyncset.done $0x0  }
0xa5: {  	s24 =	sadd.s32 $0x10, s24;
	[sflag:s31] =	ssyncadd.s32 $0xFFFF8000  }
0xa6: {  	[hbm4b:s26+s3] =	stream.linear.scatter [tilespmem:s29], [sflag:$0x4], $0x8000, $0x38;
	[tilespmem:$0x10100] =	vst v63  }
0xa7: {  	s23 =	sadd.s32 $0x1, s23  }
0xa8: {  	_ =	swait.ge [sflag:s0], $0x8000;
	p0 =	sne.s32 s23, s20  }
.Ltmp1:
0xa9: {  	[sflag:s0] =	ssyncset.done $0x0;
	(pc) =	sbr.rel @p0 .LBB2_1-.Ltmp1, $4  }
0xaa: {  	[sflag:s0] =	ssyncadd.s32 $0xFFFF8000  }
0xab: {  	_ =	swait.ge [sflag:s1], $0x8000  }
0xac: {  	[sflag:s1] =	ssyncset.done $0x0  }
0xad: {  	[sflag:s1] =	ssyncadd.s32 $0xFFFF8000  }
0xae: {  	_ =	sfence.sel $0x180000  }
0xaf: {  	[bflag:$0x0] =	sbarrier.arrive $0xFFFF  }
0xb0: {  	_ =	strace $0x90000047  }
0xb1: {  	s0 =	stileid.u32;
	[bflag:$0x2] =	sbarrier.arrive $0xFFFF  }
0xb2: {  	p0 =	sne.s32 s0, $0x0;
	s0 =	rddreg [dreg:$0x3]  }
0xb3: {  	s0 =	sadd.s32 @!p0 $0x100000, s0  }
0xb4: {  	[sflag:s0] =	ssyncadd.tile.s32 @!p0 $0x1;
	_ =	shalt  }
.Lfunc_end2:
_tile_overlayer_lowered:
.L_overlay_start_2:
0xb5: {  	(tag) =	ssettag $0x2  }
0xb6: {  	s0 =	rddreg [dreg:$0x0];
	s2 =	stileid.u32  }
0xb7: {  	s1 =	rddreg [dreg:$0x1];
	p0 =	sne.s32 s2, $0x0  }
0xb8: {  	s3 =	rddreg [dreg:$0x2];
	[bflag:$0x3] =	sbarrier.arrive $0xFFFF;
	s2 =	simm.s32 @!p0 $0x1C05  }
0xb9: {  	[timem:s3], [sflag:s2] =	dma.local @!p0 [hbm:s0], s1  }
0xba: {  	s0 =	simm.s32 @!p0 $0x5  }
0xbb: {  	_ =	swait.ge @!p0 [sflag:s0], s1  }
0xbc: {  	s1 =	ssub.s32 @!p0 $0x0, s1;
	[sflag:s0] =	ssyncset.done @!p0 $0x0  }
0xbd: {  	[sflag:s0] =	ssyncadd.s32 @!p0 s1  }
0xbe: {  	[bflag:$0x3] =	sbarrier.arrive $0xFFFF  }
0xbf: {  	_ =	shalt  }

</sc_bundles>
